<compile_context>
chip_gen: v7x
topology: tpu7x:2x2x1
jax: 0.10.2.dev20260603
libtpu: 0.0.44.dev20260713+nightly
codegen_flags: <defaults>
</compile_context>

<pallas_src>
import functools

import jax
import jax.numpy as jnp
import numpy as np
from jax import lax
from jax.experimental import pallas as pl
from jax.experimental.pallas import tpu as pltpu
from jax.experimental.pallas import tpu_sc as plsc

NUM_SAMPLES = 16
LANES = 16
NUM_CORES = 2
NUM_SUBCORES = 16

_PERM = np.array(
    [31, 7, 4, 29, 16, 19, 2, 5, 30, 3, 22, 6, 18, 10, 11, 15,
     20, 8, 24, 9, 25, 13, 14, 17, 23, 0, 21, 26, 1, 28, 27, 12],
    dtype=np.int32,
)
_COLS = _PERM[:NUM_SAMPLES]


def _select_scalar(slot, table):
    v = jnp.int32(int(table[0]))
    for k in range(1, len(table)):
        v = jnp.where(slot == k, jnp.int32(int(table[k])), v)
    return v


@functools.partial(jax.jit, static_argnames=("batch", "n_nodes"))
def _sample_sc(adj_t, node_ids, *, batch, n_nodes):
    half = batch // NUM_CORES
    groups = half // LANES
    tile_cols = batch // 128

    mesh = plsc.VectorSubcoreMesh(core_axis_name="c", subcore_axis_name="s")

    @functools.partial(
        pl.kernel,
        mesh=mesh,
        compiler_params=pltpu.CompilerParams(needs_layout_passes=False),
        out_type=jax.ShapeDtypeStruct(
            (NUM_SAMPLES // 8, tile_cols, 8, 128), jnp.int32
        ),
        scratch_types=[
            pltpu.VMEM((half,), jnp.int32),
            pltpu.VMEM((n_nodes,), jnp.int32),
            pltpu.VMEM((half // 128, 128), jnp.int32),
            pltpu.SemaphoreType.DMA,
            pltpu.SemaphoreType.DMA,
        ],
    )
    def body(adj_t_hbm, nid_hbm, out_hbm, nid_v, row_v, col_v, sem_r, sem_i):
        j = lax.axis_index("s")
        h = lax.axis_index("c")
        cj = _select_scalar(j, _COLS)
        ids_cp = pltpu.async_copy(nid_hbm.at[pl.ds(h * half, half)], nid_v, sem_i)
        pltpu.async_copy(adj_t_hbm.at[cj], row_v, sem_r).wait()
        ids_cp.wait()

        def step(r, carry):
            for u in range(8):
                idx = nid_v[pl.ds(r * 128 + u * LANES, LANES)]
                col_v[r, pl.ds(u * LANES, LANES)] = plsc.load_gather(
                    row_v, [idx]
                )
            return carry

        lax.fori_loop(0, groups // 8, step, 0)
        pltpu.sync_copy(
            col_v, out_hbm.at[j // 8, pl.ds(h * (half // 128), half // 128), j % 8]
        )

    out4d = body(adj_t, node_ids)
    return out4d.transpose(1, 3, 0, 2).reshape(batch, NUM_SAMPLES)


def kernel(adj_info, node_ids, num_samples):
    del num_samples
    return _sample_sc(
        adj_info.T,
        node_ids,
        batch=node_ids.shape[0],
        n_nodes=adj_info.shape[0],
    )

# --- scband reference (transcript-rebuilt; emitter-appended) ---
"""Pipeline reference for scband-uniform-neighbor-sampler-52201032516198 (READ-ONLY COPY).

The authoritative reference and input builder live on the scoring server;
editing this copy changes nothing except your own understanding.
"""

import jax, jax.numpy as jnp
import numpy as np

N_NODES = 100000
MAX_DEGREE = 32
BATCH = 16384
NUM_SAMPLES = 16


def setup_inputs(seed: int = 0) -> dict:
    key = jax.random.key(seed)
    k1, k2 = jax.random.split(key)
    # adj_info is the constructor-provided adjacency table [n_nodes, max_degree]
    adj_info = jax.random.randint(k1, (N_NODES, MAX_DEGREE), 0, N_NODES, dtype=jnp.int32)
    node_ids = jax.random.randint(k2, (BATCH,), 0, N_NODES, dtype=jnp.int32)
    return {"adj_info": adj_info, "node_ids": node_ids, "num_samples": NUM_SAMPLES}


def reference(adj_info, node_ids, num_samples):
    # tf.nn.embedding_lookup(adj_info, node_ids) -> gather rows
    adj_lists = jnp.take(adj_info, node_ids, axis=0)  # [B, max_degree]
    # tf.transpose -> tf.random.shuffle (shuffles leading dim) -> tf.transpose
    # equals applying ONE random permutation to the neighbor (column) axis,
    # shared across all nodes in the batch.
    perm = jax.random.permutation(jax.random.key(42), adj_lists.shape[1])
    adj_lists = adj_lists[:, perm]
    # tf.slice(adj_lists, [0, 0], [-1, num_samples])
    adj_lists = jax.lax.dynamic_slice_in_dim(
        adj_lists, num_samples - NUM_SAMPLES, NUM_SAMPLES, axis=1
    )
    return adj_lists

if __name__ == "__main__":
    import jax
    _d = setup_inputs()
    print(jax.jit(kernel)(*tuple(_d.values())))

</pallas_src>

<mosaic_0001>
#map = affine_map<(d0, d1) -> (0, 0)>
#map1 = affine_map<(d0, d1) -> (0)>
#map2 = affine_map<(d0, d1) -> (0, 0, 0, 0)>
module attributes {stable_mosaic.version = 14 : i64} {
  func.func @body(%arg0: i32, %arg1: i32, %arg2: memref<32x100000xi32, #tpu.memory_space<hbm>>, %arg3: memref<16384xi32, #tpu.memory_space<hbm>>, %arg4: memref<2x128x8x128xi32, #tpu.memory_space<hbm>>, %arg5: memref<8192xi32, #tpu.memory_space<vmem>>, %arg6: memref<100000xi32, #tpu.memory_space<vmem>>, %arg7: memref<64x128xi32, #tpu.memory_space<vmem>>, %arg8: memref<!tpu.dma_semaphore, #tpu.memory_space<semaphore_mem>>, %arg9: memref<!tpu.dma_semaphore, #tpu.memory_space<semaphore_mem>>) attributes {dimension_semantics = [#tpu.dimension_semantics<core_parallel>, #tpu.dimension_semantics<subcore_parallel>], iteration_bounds = array<i64: 2, 16>, scalar_prefetch = 0 : i64, scratch_operands = 5 : i64, tpu.core_type = #tpu.core_type<sc_vector_subcore>, window_params = [{transform_indices = #map}, {transform_indices = #map1}, {transform_indices = #map2}]} {
    %eq3A = arith.constant 1 : i32
    %eq3A_0 = arith.cmpi eq, %arg1, %eq3A : i32
    %jit3A = arith.constant 7 : i32
    %jit3A_1 = arith.constant 31 : i32
    %select_n3A = arith.select %eq3A_0, %jit3A, %jit3A_1 : i32
    %eq3A_2 = arith.constant 2 : i32
    %eq3A_3 = arith.cmpi eq, %arg1, %eq3A_2 : i32
    %jit3A_4 = arith.constant 4 : i32
    %select_n3A_5 = arith.select %eq3A_3, %jit3A_4, %select_n3A : i32
    %eq3A_6 = arith.constant 3 : i32
    %eq3A_7 = arith.cmpi eq, %arg1, %eq3A_6 : i32
    %jit3A_8 = arith.constant 29 : i32
    %select_n3A_9 = arith.select %eq3A_7, %jit3A_8, %select_n3A_5 : i32
    %eq3A_10 = arith.constant 4 : i32
    %eq3A_11 = arith.cmpi eq, %arg1, %eq3A_10 : i32
    %jit3A_12 = arith.constant 16 : i32
    %select_n3A_13 = arith.select %eq3A_11, %jit3A_12, %select_n3A_9 : i32
    %eq3A_14 = arith.constant 5 : i32
    %eq3A_15 = arith.cmpi eq, %arg1, %eq3A_14 : i32
    %jit3A_16 = arith.constant 19 : i32
    %select_n3A_17 = arith.select %eq3A_15, %jit3A_16, %select_n3A_13 : i32
    %eq3A_18 = arith.constant 6 : i32
    %eq3A_19 = arith.cmpi eq, %arg1, %eq3A_18 : i32
    %jit3A_20 = arith.constant 2 : i32
    %select_n3A_21 = arith.select %eq3A_19, %jit3A_20, %select_n3A_17 : i32
    %eq3A_22 = arith.constant 7 : i32
    %eq3A_23 = arith.cmpi eq, %arg1, %eq3A_22 : i32
    %jit3A_24 = arith.constant 5 : i32
    %select_n3A_25 = arith.select %eq3A_23, %jit3A_24, %select_n3A_21 : i32
    %eq3A_26 = arith.constant 8 : i32
    %eq3A_27 = arith.cmpi eq, %arg1, %eq3A_26 : i32
    %jit3A_28 = arith.constant 30 : i32
    %select_n3A_29 = arith.select %eq3A_27, %jit3A_28, %select_n3A_25 : i32
    %eq3A_30 = arith.constant 9 : i32
    %eq3A_31 = arith.cmpi eq, %arg1, %eq3A_30 : i32
    %jit3A_32 = arith.constant 3 : i32
    %select_n3A_33 = arith.select %eq3A_31, %jit3A_32, %select_n3A_29 : i32
    %eq3A_34 = arith.constant 10 : i32
    %eq3A_35 = arith.cmpi eq, %arg1, %eq3A_34 : i32
    %jit3A_36 = arith.constant 22 : i32
    %select_n3A_37 = arith.select %eq3A_35, %jit3A_36, %select_n3A_33 : i32
    %eq3A_38 = arith.constant 11 : i32
    %eq3A_39 = arith.cmpi eq, %arg1, %eq3A_38 : i32
    %jit3A_40 = arith.constant 6 : i32
    %select_n3A_41 = arith.select %eq3A_39, %jit3A_40, %select_n3A_37 : i32
    %eq3A_42 = arith.constant 12 : i32
    %eq3A_43 = arith.cmpi eq, %arg1, %eq3A_42 : i32
    %jit3A_44 = arith.constant 18 : i32
    %select_n3A_45 = arith.select %eq3A_43, %jit3A_44, %select_n3A_41 : i32
    %eq3A_46 = arith.constant 13 : i32
    %eq3A_47 = arith.cmpi eq, %arg1, %eq3A_46 : i32
    %jit3A_48 = arith.constant 10 : i32
    %select_n3A_49 = arith.select %eq3A_47, %jit3A_48, %select_n3A_45 : i32
    %eq3A_50 = arith.constant 14 : i32
    %eq3A_51 = arith.cmpi eq, %arg1, %eq3A_50 : i32
    %jit3A_52 = arith.constant 11 : i32
    %select_n3A_53 = arith.select %eq3A_51, %jit3A_52, %select_n3A_49 : i32
    %eq3A_54 = arith.constant 15 : i32
    %eq3A_55 = arith.cmpi eq, %arg1, %eq3A_54 : i32
    %jit3A_56 = arith.constant 15 : i32
    %select_n3A_57 = arith.select %eq3A_55, %jit3A_56, %select_n3A_53 : i32
    %mul3A = arith.constant 8192 : i32
    %mul3A_58 = arith.muli %arg0, %mul3A : i32
    %dma_start3A = tpu.memref_slice %arg3[%mul3A_58] : memref<16384xi32, #tpu.memory_space<hbm>> -> memref<8192xi32, #tpu.memory_space<hbm>>
    %dma_start3A_59 = tpu.memref_slice %arg3[%mul3A_58] : memref<16384xi32, #tpu.memory_space<hbm>> -> memref<8192xi32, #tpu.memory_space<hbm>>
    tpu.enqueue_dma source(%dma_start3A_59 : memref<8192xi32, #tpu.memory_space<hbm>>) target(%arg5 : memref<8192xi32, #tpu.memory_space<vmem>>) target_semaphore(%arg9 : memref<!tpu.dma_semaphore, #tpu.memory_space<semaphore_mem>>)
    %dma_start3A_60 = arith.constant 0 : i32
    %dma_start3A_61 = tpu.memref_slice %arg2[%select_n3A_57, %dma_start3A_60] : memref<32x100000xi32, #tpu.memory_space<hbm>> -> memref<1x100000xi32, #tpu.memory_space<hbm>>
    %dma_start3A_62 = tpu.memref_squeeze %dma_start3A_61 : memref<1x100000xi32, #tpu.memory_space<hbm>> -> memref<100000xi32, #tpu.memory_space<hbm>>
    %dma_start3A_63 = arith.constant 0 : i32
    %dma_start3A_64 = tpu.memref_slice %arg2[%select_n3A_57, %dma_start3A_63] : memref<32x100000xi32, #tpu.memory_space<hbm>> -> memref<1x100000xi32, #tpu.memory_space<hbm>>
    %dma_start3A_65 = tpu.memref_squeeze %dma_start3A_64 : memref<1x100000xi32, #tpu.memory_space<hbm>> -> memref<100000xi32, #tpu.memory_space<hbm>>
    tpu.enqueue_dma source(%dma_start3A_65 : memref<100000xi32, #tpu.memory_space<hbm>>) target(%arg6 : memref<100000xi32, #tpu.memory_space<vmem>>) target_semaphore(%arg8 : memref<!tpu.dma_semaphore, #tpu.memory_space<semaphore_mem>>)
    %dma_wait3A = arith.constant 0 : i32
    %dma_wait3A_66 = tpu.memref_slice %arg2[%select_n3A_57, %dma_wait3A] : memref<32x100000xi32, #tpu.memory_space<hbm>> -> memref<1x100000xi32, #tpu.memory_space<hbm>>
    %dma_wait3A_67 = tpu.memref_squeeze %dma_wait3A_66 : memref<1x100000xi32, #tpu.memory_space<hbm>> -> memref<100000xi32, #tpu.memory_space<hbm>>
    %dma_wait3A_68 = arith.constant 0 : i32
    %dma_wait3A_69 = tpu.memref_slice %arg2[%select_n3A_57, %dma_wait3A_68] : memref<32x100000xi32, #tpu.memory_space<hbm>> -> memref<1x100000xi32, #tpu.memory_space<hbm>>
    %dma_wait3A_70 = tpu.memref_squeeze %dma_wait3A_69 : memref<1x100000xi32, #tpu.memory_space<hbm>> -> memref<100000xi32, #tpu.memory_space<hbm>>
    tpu.wait_dma2 semaphore(%arg8 : memref<!tpu.dma_semaphore, #tpu.memory_space<semaphore_mem>>) src(%dma_wait3A_70 : memref<100000xi32, #tpu.memory_space<hbm>>) dst(%arg6 : memref<100000xi32, #tpu.memory_space<vmem>>)
    %dma_wait3A_71 = tpu.memref_slice %arg3[%mul3A_58] : memref<16384xi32, #tpu.memory_space<hbm>> -> memref<8192xi32, #tpu.memory_space<hbm>>
    %dma_wait3A_72 = tpu.memref_slice %arg3[%mul3A_58] : memref<16384xi32, #tpu.memory_space<hbm>> -> memref<8192xi32, #tpu.memory_space<hbm>>
    tpu.wait_dma2 semaphore(%arg9 : memref<!tpu.dma_semaphore, #tpu.memory_space<semaphore_mem>>) src(%dma_wait3A_72 : memref<8192xi32, #tpu.memory_space<hbm>>) dst(%arg5 : memref<8192xi32, #tpu.memory_space<vmem>>)
    %scan3A = arith.constant 0 : i32
    %scan3A_73 = arith.constant 0 : i32
    %scan3A_74 = arith.constant 64 : i32
    %scan3A_75 = arith.addi %scan3A_73, %scan3A_74 : i32
    %scan3A_76 = arith.constant 1 : i32
    scf.for %scan3A_112 = %scan3A_73 to %scan3A_75 step %scan3A_76  : i32 {
      %mul3A_113 = arith.constant 128 : i32
      %mul3A_114 = arith.muli %scan3A_112, %mul3A_113 : i32
      %add3A_115 = arith.constant 0 : i32
      %add3A_116 = arith.addi %mul3A_114, %add3A_115 : i32
      %get3A = arith.index_cast %add3A_116 : i32 to index
      %get3A_117 = tpu.vector_load %arg5[%get3A] {strides = array<i32>} : memref<8192xi32, #tpu.memory_space<vmem>>, vector<16xi32>,
      %gather3A = tpu.vector_load_idx %arg6[%get3A_117] : memref<100000xi32, #tpu.memory_space<vmem>>[vector<16xi32>], vector<16xi32>,
      %swap3A = arith.index_cast %scan3A_112 : i32 to index
      %swap3A_118 = arith.constant 0 : index
      %swap3A_119 = tpu.vector_load %arg7[%swap3A, %swap3A_118] {strides = array<i32>} : memref<64x128xi32, #tpu.memory_space<vmem>>, vector<16xi32>,
      tpu.vector_store %arg7[%swap3A, %swap3A_118], %gather3A {strides = array<i32>} : memref<64x128xi32, #tpu.memory_space<vmem>>, vector<16xi32>,
      %mul3A_120 = arith.constant 128 : i32
      %mul3A_121 = arith.muli %scan3A_112, %mul3A_120 : i32
      %add3A_122 = arith.constant 16 : i32
      %add3A_123 = arith.addi %mul3A_121, %add3A_122 : i32
      %get3A_124 = arith.index_cast %add3A_123 : i32 to index
      %get3A_125 = tpu.vector_load %arg5[%get3A_124] {strides = array<i32>} : memref<8192xi32, #tpu.memory_space<vmem>>, vector<16xi32>,
      %gather3A_126 = tpu.vector_load_idx %arg6[%get3A_125] : memref<100000xi32, #tpu.memory_space<vmem>>[vector<16xi32>], vector<16xi32>,
      %swap3A_127 = arith.index_cast %scan3A_112 : i32 to index
      %swap3A_128 = arith.constant 16 : index
      %swap3A_129 = tpu.vector_load %arg7[%swap3A_127, %swap3A_128] {strides = array<i32>} : memref<64x128xi32, #tpu.memory_space<vmem>>, vector<16xi32>,
      tpu.vector_store %arg7[%swap3A_127, %swap3A_128], %gather3A_126 {strides = array<i32>} : memref<64x128xi32, #tpu.memory_space<vmem>>, vector<16xi32>,
      %mul3A_130 = arith.constant 128 : i32
      %mul3A_131 = arith.muli %scan3A_112, %mul3A_130 : i32
      %add3A_132 = arith.constant 32 : i32
      %add3A_133 = arith.addi %mul3A_131, %add3A_132 : i32
      %get3A_134 = arith.index_cast %add3A_133 : i32 to index
      %get3A_135 = tpu.vector_load %arg5[%get3A_134] {strides = array<i32>} : memref<8192xi32, #tpu.memory_space<vmem>>, vector<16xi32>,
      %gather3A_136 = tpu.vector_load_idx %arg6[%get3A_135] : memref<100000xi32, #tpu.memory_space<vmem>>[vector<16xi32>], vector<16xi32>,
      %swap3A_137 = arith.index_cast %scan3A_112 : i32 to index
      %swap3A_138 = arith.constant 32 : index
      %swap3A_139 = tpu.vector_load %arg7[%swap3A_137, %swap3A_138] {strides = array<i32>} : memref<64x128xi32, #tpu.memory_space<vmem>>, vector<16xi32>,
      tpu.vector_store %arg7[%swap3A_137, %swap3A_138], %gather3A_136 {strides = array<i32>} : memref<64x128xi32, #tpu.memory_space<vmem>>, vector<16xi32>,
      %mul3A_140 = arith.constant 128 : i32
      %mul3A_141 = arith.muli %scan3A_112, %mul3A_140 : i32
      %add3A_142 = arith.constant 48 : i32
      %add3A_143 = arith.addi %mul3A_141, %add3A_142 : i32
      %get3A_144 = arith.index_cast %add3A_143 : i32 to index
      %get3A_145 = tpu.vector_load %arg5[%get3A_144] {strides = array<i32>} : memref<8192xi32, #tpu.memory_space<vmem>>, vector<16xi32>,
      %gather3A_146 = tpu.vector_load_idx %arg6[%get3A_145] : memref<100000xi32, #tpu.memory_space<vmem>>[vector<16xi32>], vector<16xi32>,
      %swap3A_147 = arith.index_cast %scan3A_112 : i32 to index
      %swap3A_148 = arith.constant 48 : index
      %swap3A_149 = tpu.vector_load %arg7[%swap3A_147, %swap3A_148] {strides = array<i32>} : memref<64x128xi32, #tpu.memory_space<vmem>>, vector<16xi32>,
      tpu.vector_store %arg7[%swap3A_147, %swap3A_148], %gather3A_146 {strides = array<i32>} : memref<64x128xi32, #tpu.memory_space<vmem>>, vector<16xi32>,
      %mul3A_150 = arith.constant 128 : i32
      %mul3A_151 = arith.muli %scan3A_112, %mul3A_150 : i32
      %add3A_152 = arith.constant 64 : i32
      %add3A_153 = arith.addi %mul3A_151, %add3A_152 : i32
      %get3A_154 = arith.index_cast %add3A_153 : i32 to index
      %get3A_155 = tpu.vector_load %arg5[%get3A_154] {strides = array<i32>} : memref<8192xi32, #tpu.memory_space<vmem>>, vector<16xi32>,
      %gather3A_156 = tpu.vector_load_idx %arg6[%get3A_155] : memref<100000xi32, #tpu.memory_space<vmem>>[vector<16xi32>], vector<16xi32>,
      %swap3A_157 = arith.index_cast %scan3A_112 : i32 to index
      %swap3A_158 = arith.constant 64 : index
      %swap3A_159 = tpu.vector_load %arg7[%swap3A_157, %swap3A_158] {strides = array<i32>} : memref<64x128xi32, #tpu.memory_space<vmem>>, vector<16xi32>,
      tpu.vector_store %arg7[%swap3A_157, %swap3A_158], %gather3A_156 {strides = array<i32>} : memref<64x128xi32, #tpu.memory_space<vmem>>, vector<16xi32>,
      %mul3A_160 = arith.constant 128 : i32
      %mul3A_161 = arith.muli %scan3A_112, %mul3A_160 : i32
      %add3A_162 = arith.constant 80 : i32
      %add3A_163 = arith.addi %mul3A_161, %add3A_162 : i32
      %get3A_164 = arith.index_cast %add3A_163 : i32 to index
      %get3A_165 = tpu.vector_load %arg5[%get3A_164] {strides = array<i32>} : memref<8192xi32, #tpu.memory_space<vmem>>, vector<16xi32>,
      %gather3A_166 = tpu.vector_load_idx %arg6[%get3A_165] : memref<100000xi32, #tpu.memory_space<vmem>>[vector<16xi32>], vector<16xi32>,
      %swap3A_167 = arith.index_cast %scan3A_112 : i32 to index
      %swap3A_168 = arith.constant 80 : index
      %swap3A_169 = tpu.vector_load %arg7[%swap3A_167, %swap3A_168] {strides = array<i32>} : memref<64x128xi32, #tpu.memory_space<vmem>>, vector<16xi32>,
      tpu.vector_store %arg7[%swap3A_167, %swap3A_168], %gather3A_166 {strides = array<i32>} : memref<64x128xi32, #tpu.memory_space<vmem>>, vector<16xi32>,
      %mul3A_170 = arith.constant 128 : i32
      %mul3A_171 = arith.muli %scan3A_112, %mul3A_170 : i32
      %add3A_172 = arith.constant 96 : i32
      %add3A_173 = arith.addi %mul3A_171, %add3A_172 : i32
      %get3A_174 = arith.index_cast %add3A_173 : i32 to index
      %get3A_175 = tpu.vector_load %arg5[%get3A_174] {strides = array<i32>} : memref<8192xi32, #tpu.memory_space<vmem>>, vector<16xi32>,
      %gather3A_176 = tpu.vector_load_idx %arg6[%get3A_175] : memref<100000xi32, #tpu.memory_space<vmem>>[vector<16xi32>], vector<16xi32>,
      %swap3A_177 = arith.index_cast %scan3A_112 : i32 to index
      %swap3A_178 = arith.constant 96 : index
      %swap3A_179 = tpu.vector_load %arg7[%swap3A_177, %swap3A_178] {strides = array<i32>} : memref<64x128xi32, #tpu.memory_space<vmem>>, vector<16xi32>,
      tpu.vector_store %arg7[%swap3A_177, %swap3A_178], %gather3A_176 {strides = array<i32>} : memref<64x128xi32, #tpu.memory_space<vmem>>, vector<16xi32>,
      %mul3A_180 = arith.constant 128 : i32
      %mul3A_181 = arith.muli %scan3A_112, %mul3A_180 : i32
      %add3A_182 = arith.constant 112 : i32
      %add3A_183 = arith.addi %mul3A_181, %add3A_182 : i32
      %get3A_184 = arith.index_cast %add3A_183 : i32 to index
      %get3A_185 = tpu.vector_load %arg5[%get3A_184] {strides = array<i32>} : memref<8192xi32, #tpu.memory_space<vmem>>, vector<16xi32>,
      %gather3A_186 = tpu.vector_load_idx %arg6[%get3A_185] : memref<100000xi32, #tpu.memory_space<vmem>>[vector<16xi32>], vector<16xi32>,
      %swap3A_187 = arith.index_cast %scan3A_112 : i32 to index
      %swap3A_188 = arith.constant 112 : index
      %swap3A_189 = tpu.vector_load %arg7[%swap3A_187, %swap3A_188] {strides = array<i32>} : memref<64x128xi32, #tpu.memory_space<vmem>>, vector<16xi32>,
      tpu.vector_store %arg7[%swap3A_187, %swap3A_188], %gather3A_186 {strides = array<i32>} : memref<64x128xi32, #tpu.memory_space<vmem>>, vector<16xi32>,
    }
    %scan3A_77 = arith.constant 64 : i32
    %jit3A_78 = arith.constant 8 : i32
    %div3A = arith.divsi %arg1, %jit3A_78 : i32
    %sign3A = arith.constant 0 : i32
    %sign3A_79 = arith.cmpi sgt, %arg1, %sign3A : i32
    %sign3A_80 = arith.extui %sign3A_79 : i1 to i32
    %sign3A_81 = arith.constant 0 : i32
    %sign3A_82 = arith.cmpi slt, %arg1, %sign3A_81 : i32
    %sign3A_83 = arith.extui %sign3A_82 : i1 to i32
    %sign3A_84 = arith.subi %sign3A_80, %sign3A_83 : i32
    %sign3A_85 = arith.constant 0 : i32
    %sign3A_86 = arith.cmpi sgt, %jit3A_78, %sign3A_85 : i32
    %sign3A_87 = arith.extui %sign3A_86 : i1 to i32
    %sign3A_88 = arith.constant 0 : i32
    %sign3A_89 = arith.cmpi slt, %jit3A_78, %sign3A_88 : i32
    %sign3A_90 = arith.extui %sign3A_89 : i1 to i32
    %sign3A_91 = arith.subi %sign3A_87, %sign3A_90 : i32
    %ne3A = arith.cmpi ne, %sign3A_84, %sign3A_91 : i32
    %rem3A = arith.remsi %arg1, %jit3A_78 : i32
    %ne3A_92 = arith.constant 0 : i32
    %ne3A_93 = arith.cmpi ne, %rem3A, %ne3A_92 : i32
    %and3A = arith.andi %ne3A, %ne3A_93 : i1
    %sub3A = arith.constant 1 : i32
    %sub3A_94 = arith.subi %div3A, %sub3A : i32
    %select_n3A_95 = arith.select %and3A, %sub3A_94, %div3A : i32
    %mul3A_96 = arith.constant 64 : i32
    %mul3A_97 = arith.muli %arg0, %mul3A_96 : i32
    %jit3A_98 = arith.constant 8 : i32
    %eq3A_99 = arith.constant 0 : i32
    %eq3A_100 = arith.cmpi eq, %jit3A_98, %eq3A_99 : i32
    %jit3A_101 = arith.constant 1 : i32
    %select_n3A_102 = arith.select %eq3A_100, %jit3A_101, %jit3A_98 : i32
    %rem3A_103 = arith.remsi %arg1, %select_n3A_102 : i32
    %ne3A_104 = arith.constant 0 : i32
    %ne3A_105 = arith.cmpi ne, %rem3A_103, %ne3A_104 : i32
    %lt3A = arith.constant 0 : i32
    %lt3A_106 = arith.cmpi slt, %rem3A_103, %lt3A : i32
    %lt3A_107 = arith.constant 0 : i32
    %lt3A_108 = arith.cmpi slt, %select_n3A_102, %lt3A_107 : i32
    %ne3A_109 = arith.xori %lt3A_106, %lt3A_108 : i1
    %and3A_110 = arith.andi %ne3A_109, %ne3A_105 : i1
    %add3A = arith.addi %rem3A_103, %select_n3A_102 : i32
    %select_n3A_111 = arith.select %and3A_110, %add3A, %rem3A_103 : i32
    "tpu.region"() ({
      %run_scoped3A = tpu.sem_alloc : memref<!tpu.dma_semaphore, #tpu.memory_space<semaphore_mem>>
      %dma_start3A_112 = arith.constant 0 : i32
      %dma_start3A_113 = tpu.memref_slice %arg4[%select_n3A_95, %mul3A_97, %select_n3A_111, %dma_start3A_112] : memref<2x128x8x128xi32, #tpu.memory_space<hbm>> -> memref<1x64x1x128xi32, #tpu.memory_space<hbm>>
      %dma_start3A_114 = tpu.memref_squeeze %dma_start3A_113 : memref<1x64x1x128xi32, #tpu.memory_space<hbm>> -> memref<64x128xi32, #tpu.memory_space<hbm>>
      %dma_start3A_115 = arith.constant 0 : i32
      %dma_start3A_116 = tpu.memref_slice %arg4[%select_n3A_95, %mul3A_97, %select_n3A_111, %dma_start3A_115] : memref<2x128x8x128xi32, #tpu.memory_space<hbm>> -> memref<1x64x1x128xi32, #tpu.memory_space<hbm>>
      %dma_start3A_117 = tpu.memref_squeeze %dma_start3A_116 : memref<1x64x1x128xi32, #tpu.memory_space<hbm>> -> memref<64x128xi32, #tpu.memory_space<hbm>>
      tpu.enqueue_dma source(%arg7 : memref<64x128xi32, #tpu.memory_space<vmem>>) target(%dma_start3A_117 : memref<64x128xi32, #tpu.memory_space<hbm>>) target_semaphore(%run_scoped3A : memref<!tpu.dma_semaphore, #tpu.memory_space<semaphore_mem>>)
      %dma_wait3A_118 = arith.constant 0 : i32
      %dma_wait3A_119 = tpu.memref_slice %arg4[%select_n3A_95, %mul3A_97, %select_n3A_111, %dma_wait3A_118] : memref<2x128x8x128xi32, #tpu.memory_space<hbm>> -> memref<1x64x1x128xi32, #tpu.memory_space<hbm>>
      %dma_wait3A_120 = tpu.memref_squeeze %dma_wait3A_119 : memref<1x64x1x128xi32, #tpu.memory_space<hbm>> -> memref<64x128xi32, #tpu.memory_space<hbm>>
      %dma_wait3A_121 = arith.constant 0 : i32
      %dma_wait3A_122 = tpu.memref_slice %arg4[%select_n3A_95, %mul3A_97, %select_n3A_111, %dma_wait3A_121] : memref<2x128x8x128xi32, #tpu.memory_space<hbm>> -> memref<1x64x1x128xi32, #tpu.memory_space<hbm>>
      %dma_wait3A_123 = tpu.memref_squeeze %dma_wait3A_122 : memref<1x64x1x128xi32, #tpu.memory_space<hbm>> -> memref<64x128xi32, #tpu.memory_space<hbm>>
      tpu.wait_dma2 semaphore(%run_scoped3A : memref<!tpu.dma_semaphore, #tpu.memory_space<semaphore_mem>>) src(%arg7 : memref<64x128xi32, #tpu.memory_space<vmem>>) dst(%dma_wait3A_123 : memref<64x128xi32, #tpu.memory_space<hbm>>)
      tpu.yield
    }) : () -> ()
    return
  }
}

</mosaic_0001>

<sc_bundles>
// kernel: _sample_sc.3.cloned.1.call-start
scs
__scs_entry_jumppad:
0x0: {  	(pc) =	sbr.rel $0x88, $3  }
0x1: {  	(tag) =	ssettag $0x0;
	lr =	simm.s32 $0x1  }
0x2: {  	[smem:$0x3F9F] =	sst lr;
	_ =	strace $0xD0000000  }
0x3: {  	_ = 	snop  }
0x4: {  	_ = 	snop  }
0x5: {  	_ = 	snop  }
0x6: {  	_ = 	snop  }
0x7: {  	_ = 	snop  }
__scs_overlays_trampoline_lowered:
0x8: {  	[smem:$0x3FAE] =	sst s0  }
0x9: {  	[smem:$0x3FAF] =	sst s1  }
0xa: {  	[smem:$0x3FB0] =	sst s2  }
0xb: {  	[smem:$0x3FB1] =	sst s3  }
0xc: {  	[smem:$0x3FB2] =	sst s4  }
0xd: {  	[smem:$0x3FB3] =	sst s5  }
0xe: {  	[smem:$0x3FB4] =	sst s6  }
0xf: {  	[smem:$0x3FB5] =	sst s7  }
0x10: {  	[smem:$0x3FB6] =	sst s8  }
0x11: {  	[smem:$0x3FB7] =	sst s9;
	s0 =	simm.s32 @!p0 $0x0  }
0x12: {  	s1 =	sld [smem:$0x3F9D];
	s0 =	simm.s32 @p0 $0x1  }
0x13: {  	[smem:$0x3FB8] =	sst s0;
	s0 =	simm.s32 @!p1 $0x0  }
0x14: {  	s2 =	sld [smem:$0x3F9C];
	s0 =	simm.s32 @p1 $0x1  }
0x15: {  	[smem:$0x3FB9] =	sst s0;
	s0 =	simm.s32 @!p2 $0x0  }
0x16: {  	s3 =	sld [smem:$0x3FDB];
	s0 =	simm.s32 @p2 $0x1  }
0x17: {  	s4 =	simm.s32 $0x1BF5;
	[smem:$0x3FBB] =	sst s0  }
0x18: {  	s0 =	sld [smem:$0x3F9E];
	_ =	swait.ge [sflag:s4], $0x0  }
0x19: {  	s7 =	sld [smem:$0x3F9F]  }
0x1a: {  	s8 =	sadd.s32 $0xFFFFE003, lr  }
0x1b: {  	s9 =	sadd.s32 $0xFFFFFEF7, lr;
	s5 =	simm.s32 $0xFFFFFFFF;
	p2 =	slt.u32 s8, $0xFFFFF086  }
0x1c: {  	p1 =	slt.u32 s9, $0xF7A;
	s5 =	simm.s32 @!p2 $0x0  }
0x1d: {  	s5 =	simm.s32 @p1 $0x1;
	p0 =	seq.s32 s7, s2  }
0x1e: {  	s7 =	smul.u32 @!p0 $0xF7A, s2;
	p2 =	seq.s32 @!p0 s5, $0x0  }
0x1f: {  	s9 =	smul.u32 $0xF7A, s1;
	s8 =	simm.s32 @!p0 $0x1BF5;
	p2 =	por !p2, p0  }
0x20: {  	[sflag:s8] =	ssyncset.s32 @!p0 $0xFFFFF086;
	s6 =	sadd.s32 @!p0 s3, s7;
	s7 =	simm.s32 @!p0 $0x108  }
0x21: {  	s3 =	sadd.s32 s3, s9;
	s6 =	sadd.s32 @!p0 $0x88, s6;
	s7 =	simm.s32 @p2 $0x1082  }
0x22: {  	[simem:s7], [sflag:s8] =	dma.local @!p0 [hbm:s6], $0xF7A  }
0x23: {  	s9 =	sor.u32 $0xD0000000, s2;
	s6 =	simm.s32 $0x108;
	_ =	swait.ge @!p0 [sflag:s8], $0x0  }
0x24: {  	s3 =	sadd.s32 $0x88, s3;
	s6 =	simm.s32 @!p1 $0x1082;
	[sflag:s4] =	ssyncset.s32 $0xFFFFF086  }
0x25: {  	[simem:s6], [sflag:s4] =	dma.local [hbm:s3], $0xF7A  }
0x26: {  	[smem:$0x3F9F] =	sst s1;
	(tag) =	ssettag s2;
	_ =	strace s9  }
0x27: {  	s1 =	sld [smem:$0x3FAF]  }
0x28: {  	s2 =	sld [smem:$0x3FB0]  }
0x29: {  	s4 =	sld [smem:$0x3FB2]  }
0x2a: {  	p0 =	seq.s32 s5, $0x0;
	s5 =	sld [smem:$0x3FB3]  }
0x2b: {  	s6 =	sld [smem:$0x3FB4]  }
0x2c: {  	s7 =	sld [smem:$0x3FB5]  }
0x2d: {  	s3 =	simm.s32 $0x108;
	s8 =	sld [smem:$0x3FB6]  }
0x2e: {  	s3 =	simm.s32 @!p0 $0x1082;
	s9 =	sld [smem:$0x3FB7]  }
0x2f: {  	lr =	sadd.s32 s0, s3;
	s0 =	sld [smem:$0x3FAE]  }
0x30: {  	s3 =	sld [smem:$0x3FB1]  }
0x31: {  	[smem:$0x3FBA] =	sst s10  }
0x32: {  	s10 =	sld [smem:$0x3FB8];
	_ =	sdelay $0x3  }
0x33: {  	p0 =	seq.s32 s10, $0x1;
	s10 =	sld [smem:$0x3FBA];
	_ =	sdelay $0x3  }
0x34: {  	[smem:$0x3FBA] =	sst s10  }
0x35: {  	s10 =	sld [smem:$0x3FB9];
	_ =	sdelay $0x3  }
0x36: {  	p1 =	seq.s32 s10, $0x1;
	s10 =	sld [smem:$0x3FBA];
	_ =	sdelay $0x3  }
0x37: {  	[smem:$0x3FBA] =	sst s10  }
0x38: {  	s10 =	sld [smem:$0x3FBB]  }
0x39: {  	_ = 	snop;
	(pc) =	sbr.ind lr, $3  }
0x3a: {  	_ = 	snop  }
0x3b: {  	_ = 	snop  }
0x3c: {  	p2 =	seq.s32 s10, $0x1;
	s10 =	sld [smem:$0x3FBA]  }
0x3d: {  	_ =	shalt  }
0x3e: {  	_ =	shalt  }
0x3f: {  	_ =	shalt  }
0x40: {  	_ =	shalt  }
0x41: {  	_ =	shalt  }
0x42: {  	_ =	shalt  }
0x43: {  	_ =	shalt  }
0x44: {  	_ =	shalt  }
0x45: {  	_ =	shalt  }
0x46: {  	_ =	shalt  }
0x47: {  	_ =	shalt  }
0x48: {  	_ =	shalt  }
0x49: {  	_ =	shalt  }
0x4a: {  	_ =	shalt  }
0x4b: {  	_ =	shalt  }
0x4c: {  	_ =	shalt  }
0x4d: {  	_ =	shalt  }
0x4e: {  	_ =	shalt  }
0x4f: {  	_ =	shalt  }
0x50: {  	_ =	shalt  }
0x51: {  	_ =	shalt  }
0x52: {  	_ =	shalt  }
0x53: {  	_ =	shalt  }
0x54: {  	_ =	shalt  }
0x55: {  	_ =	shalt  }
0x56: {  	_ =	shalt  }
0x57: {  	_ =	shalt  }
0x58: {  	_ =	shalt  }
0x59: {  	_ =	shalt  }
0x5a: {  	_ =	shalt  }
0x5b: {  	_ =	shalt  }
0x5c: {  	_ =	shalt  }
0x5d: {  	_ =	shalt  }
0x5e: {  	_ =	shalt  }
0x5f: {  	_ =	shalt  }
0x60: {  	_ =	shalt  }
0x61: {  	_ =	shalt  }
0x62: {  	_ =	shalt  }
0x63: {  	_ =	shalt  }
0x64: {  	_ =	shalt  }
0x65: {  	_ =	shalt  }
0x66: {  	_ =	shalt  }
0x67: {  	_ =	shalt  }
0x68: {  	_ =	shalt  }
0x69: {  	_ =	shalt  }
0x6a: {  	_ =	shalt  }
0x6b: {  	_ =	shalt  }
0x6c: {  	_ =	shalt  }
0x6d: {  	_ =	shalt  }
0x6e: {  	_ =	shalt  }
0x6f: {  	_ =	shalt  }
0x70: {  	_ =	shalt  }
0x71: {  	_ =	shalt  }
0x72: {  	_ =	shalt  }
0x73: {  	_ =	shalt  }
0x74: {  	_ =	shalt  }
0x75: {  	_ =	shalt  }
0x76: {  	_ =	shalt  }
0x77: {  	_ =	shalt  }
0x78: {  	_ =	shalt  }
0x79: {  	_ =	shalt  }
0x7a: {  	_ =	shalt  }
0x7b: {  	_ =	shalt  }
0x7c: {  	_ =	shalt  }
0x7d: {  	_ =	shalt  }
0x7e: {  	_ =	shalt  }
0x7f: {  	_ =	shalt  }
0x80: {  	_ =	shalt  }
0x81: {  	_ =	shalt  }
0x82: {  	_ =	shalt  }
0x83: {  	_ =	shalt  }
0x84: {  	_ =	shalt  }
0x85: {  	_ =	shalt  }
0x86: {  	_ =	shalt  }
0x87: {  	_ =	shalt  }
.Lfunc_end0:
.L_simem_size_0:
called_computation_lowered:
.L_overlay_start_0:
0x88: {  	s2 =	sld [smem:$0x3FD9]  }
0x89: {  	s3 =	sld [smem:$0x3FFE];
	_ =	sdelay $0x1  }
0x8a: {  	s1 =	srdreg.scid  }
0x8b: {  	s0 =	sand.u32 $0x1, s1  }
0x8c: {  	s18 =	sshll.u32 s0, $0xA;
	s2 =	sadd.s32 s3, s2  }
0x8d: {  	s2 =	sadd.s32 s2, s18  }
0x8e: {  	[smem:$0x3FC6] =	sst s2  }
0x8f: {  	_ = 	snop  }
0x90: {  	s2 =	sld [smem:$0x3FC9]  }
0x91: {  	s19 =	sld [smem:$0x3FC8]  }
0x92: {  	s4 =	sld [smem:$0x3FD0];
	(tm) =	ssettm $0x1  }
0x93: {  	s5 =	sld [smem:$0x3FFB];
	_ =	sdelay $0x3  }
0x94: {  	_ =	strace s5  }
0x95: {  	s5 =	sld [smem:$0x3FFC];
	_ =	sdelay $0x3  }
0x96: {  	_ =	strace s5  }
0x97: {  	s5 =	sld [smem:$0x3FFD];
	_ =	sdelay $0x3  }
0x98: {  	_ =	strace s5  }
0x99: {  	_ =	strace $0x8FFFFFFF  }
0x9a: {  	s20 =	sld [smem:$0x3FDB];
	_ =	sdelay $0x1  }
0x9b: {  	s6 =	simm.s32 $_scs_section_size  }
0x9c: {  	s7 =	simm.s32 $_size__tile_overlayer_lowered;
	s8 =	simm.s32 $_tile_overlayer_lowered  }
0x9d: {  	s23 =	simm.s32 $0x1BFF;
	s22 =	sshll.u32 s8, $0x1;
	s5 =	sadd.s32 s6, s20  }
0x9e: {  	s9 =	simm.s32 $0x0;
	s21 =	sshll.u32 s7, $0x1;
	s7 =	sadd.s32 s22, s5  }
0x9f: {  	[timem:s9], [sflag:s23] =	dma.local [hbm:s7], s21  }
0xa0: {  	_ =	swait.ge [sflag:s23], s21  }
0xa1: {  	s6 =	ssub.s32 $0x0, s21;
	[sflag:s23] =	ssyncset.done $0x0  }
0xa2: {  	[sflag:s23] =	ssyncadd.s32 s6;
	_ =	sdelay $0x1  }
0xa3: {  	s24 =	simm.s32 $0x1B8B  }
0xa4: {  	_ =	swait.ge [sflag:s24], $0x1  }
0xa5: {  	[sflag:s24] =	ssyncset.done $0x0  }
0xa6: {  	s25 =	simm.s32 $0x1B8E;
	[sflag:s24] =	ssyncadd.s32 $0xFFFFFFFF  }
0xa7: {  	s26 =	simm.s32 $execute0_lowered;
	[smem:$0x3FD2] =	sst s25  }
0xa8: {  	s6 =	sshll.u32 s26, $0x1;
	_ =	strace $0x80000046;
	[dreg:$0x1] =	wrdreg $0xFFFFFFFF  }
0xa9: {  	s28 =	simm.s32 $_size_execute0_lowered;
	s5 =	sadd.s32 s5, s6;
	[dreg:$0x0] =	wrdreg $0x0  }
0xaa: {  	s6 =	sshll.u32 s28, $0x1;
	[dreg:$0x2] =	wrdreg s5  }
0xab: {  	[dreg:$0x3] =	wrdreg s6  }
0xac: {  	[dreg:$0x4] =	wrdreg $0xC0  }
0xad: {  	_ =	task [dreg:s9], $0x5FFFF  }
0xae: {  	[dreg:$0x1] =	wrdreg $0xFFFFFFFF  }
0xaf: {  	[dreg:$0x0] =	wrdreg $0x60  }
0xb0: {  	[dreg:$0x2] =	wrdreg s2  }
0xb1: {  	[dreg:$0x3] =	wrdreg s19  }
0xb2: {  	[dreg:$0x4] =	wrdreg s4  }
0xb3: {  	[dreg:$0x5] =	wrdreg $0x9  }
0xb4: {  	_ =	task.clear_ibuf [dreg:s9], $0x6FFFF;
	_ =	strace $0x90000046  }
0xb5: {  	s29 =	simm.s32 $0x9;
	_ =	strace $0x80000048  }
0xb6: {  	_ =	swait.ge [sflag:s29], $0x1  }
0xb7: {  	[sflag:s29] =	ssyncadd.s32 $0xFFFFFFFF  }
0xb8: {  	_ =	strace $0x90000048  }
0xb9: {  	_ =	sfence  }
0xba: {  	s30 =	sld [smem:$0x0];
	_ =	sdelay $0x2  }
0xbb: {  	s31 =	sshll.u32 s1, $0xD;
	s1 =	sshrl.u32 s1, $0x2  }
0xbc: {  	s3 =	sand.u32 $0x4000, s31;
	s1 =	sadd.s32 s1, s30  }
0xbd: {  	s0 =	sor.u32 s3, s0;
	s1 =	sshll.u32 s1, $0x11  }
0xbe: {  	s0 =	sor.u32 s1, s0  }
0xbf: {  	s0 =	sadd.s32 $0x8F2B, s0  }
0xc0: {  	[sflag:s0] =	ssyncadd.remote.s32 $0x1  }
0xc1: {  	_ =	sfence.sel $0xFFFF  }
0xc2: {  	[dreg:$0x0] =	wrdreg $0xFFFFFFFF;
	(pc) =	sbr.abs _section_cstart, $3  }
0xc3: {  	[dreg:$0x1] =	wrdreg $0xFFFFFFFF  }
0xc4: {  	_ =	task.clear_ibuf [dreg:s9], $0x2FFFF;
	_ =	strace $0x9FFFFFFF  }
0xc5: {  	(tm) =	ssettm $0x7FFFFFFF  }
tec
execute0_lowered:
.L_overlay_start_1:
0x0: {  	(tag) =	ssettag $0x1  }
0x1: {  	s0 =	stileid.u32  }
0x2: {  	s3 =	simm.s32 $0x7;
	s4 =	rddreg [dreg:$0x0];
	p0 =	seq.s32 s0, $0x1  }
0x3: {  	s5 =	rddreg [dreg:$0x1];
	s3 =	simm.s32 @!p0 $0x1F;
	p0 =	seq.s32 s0, $0x2  }
0x4: {  	s6 =	rddreg [dreg:$0x2];
	s3 =	simm.s32 @p0 $0x4;
	p0 =	seq.s32 s0, $0x3  }
0x5: {  	s1 =	rddreg [dreg:$0x3];
	s3 =	simm.s32 @p0 $0x1D;
	p0 =	seq.s32 s0, $0x4  }
0x6: {  	s2 =	simm.s32 $0x0;
	s3 =	simm.s32 @p0 $0x10;
	p0 =	seq.s32 s0, $0x5  }
0x7: {  	s7 =	srdreg.scid;
	s3 =	simm.s32 @p0 $0x13;
	p0 =	seq.s32 s0, $0x6  }
0x8: {  	s12 =	simm.s32 $0x1A700;
	s3 =	simm.s32 @p0 $0x2;
	p0 =	seq.s32 s0, $0x7  }
0x9: {  	s13 =	simm.s32 $0x3;
	s3 =	simm.s32 @p0 $0x5;
	p0 =	seq.s32 s0, $0x8  }
0xa: {  	s14 =	simm.s32 $0x0;
	s3 =	simm.s32 @p0 $0x1E;
	p0 =	seq.s32 s0, $0x9  }
0xb: {  	[smem:$0x7FF] =	sst s2;
	s3 =	simm.s32 @p0 $0x3;
	p0 =	seq.s32 s0, $0xA  }
0xc: {  	s7 =	sand.u32 $0x1, s7;
	s3 =	simm.s32 @p0 $0x16;
	p0 =	seq.s32 s0, $0xB  }
0xd: {  	s30 =	sshll.u32 s0, $0xB;
	s3 =	simm.s32 @p0 $0x6;
	p0 =	seq.s32 s0, $0xC  }
0xe: {  	s11 =	sshll.u32 s0, $0x4;
	s3 =	simm.s32 @p0 $0x12;
	p0 =	seq.s32 s0, $0xD  }
0xf: {  	_ =	strace $0x80000047;
	s3 =	simm.s32 @p0 $0xA;
	p0 =	seq.s32 s0, $0xE  }
0x10: {  	s8 =	ssub.s32 $0x2, s7;
	s3 =	simm.s32 @p0 $0xB;
	p0 =	seq.s32 s0, $0xF  }
0x11: {  	s29 =	sshll.u32 s7, $0xA;
	s7 =	sshll.u32 s7, $0xD;
	s3 =	simm.s32 @p0 $0xF  }
0x12: {  	s11 =	sand.u32 $0x70, s11;
	s10 =	sshrl.u32 s8, $0x1;
	s9 =	sshrl.u32 s3, $0x3  }
0x13: {  	s6 =	sadd.s32 s6, s7;
	s3 =	sshll.u32 s3, $0x7;
	s9 =	smul.u32 $0xC3800, s9  }
0x14: {  	s7 =	simm.s32 $0x80;
	s8 =	ssub.s32 s8, s10;
	s3 =	sand.u32 $0x380, s3  }
0x15: {  	s10 =	simm.s32 $0x1;
	s3 =	sor.u32 s3, s9;
	s9 =	sand.u32 $0x4000, s30  }
0x16: {  	s31 =	sshrl.u32 s3, $0x3;
	s6 =	sadd.s32 s9, s6;
	s3 =	sadd.s32 s5, s29  }
0x17: {  	s9 =	simm.s32 $0x2000;
	s4 =	sadd.s32 s4, s31;
	s5 =	sadd.s32 s11, s6  }
0x18: {  	s6 =	smax.u32 s8, $0x1;
	s8 =	simm.s32 $0x400;
	s11 =	simm.s32 $0x2  }
.LBB2_1:
0x19: {  	[tilespmem:s2], [sflag:$0x2] =	stream.linear.gather [hbm4b:s3+s2], $0x2000, $0x38;
	[tilespmem:$0x1C700] =	vst v63  }
0x1a: {  	_ = 	snop  }
0x1b: {  	[tilespmem:s9], [sflag:$0x1] =	stream.strided.gather [hbm4b:s4+s7], $0x18700, s8, s7, $0x38;
	[tilespmem:$0x1C700] =	vst v63  }
0x1c: {  	_ =	swait.ge [sflag:s10], $0x18700  }
0x1d: {  	[sflag:s10] =	ssyncset.done $0x0  }
0x1e: {  	[sflag:s10] =	ssyncadd.s32 $0xFFFE7900  }
0x1f: {  	_ =	swait.ge [sflag:s11], $0x2000  }
0x20: {  	[sflag:s11] =	ssyncset.done $0x0  }
0x21: {  	s15 =	simm.s32 $0x0;
	[sflag:s11] =	ssyncadd.s32 $0xFFFFE000  }
0x22: {  	v0 =	vld [tilespmem:s15+$0x0];
	_ =	sdelay $0x5  }
0x23: {  	v1 =	vld [tilespmem:s15+$0x10];
	_ =	sdelay $0x1  }
0x24: {  	v0 =	vld.idx.msk [tilespmem:v0+s9+$0x0], $0xffff;
	_ =	sdelay $0x4  }
0x25: {  	[tilespmem:s15+$0x1A700] =	vst v0;
	v0 =	vld [tilespmem:s15+$0x20]  }
0x26: {  	v1 =	vld.idx.msk [tilespmem:v1+s9+$0x0], $0xffff;
	_ =	sdelay $0x4  }
0x27: {  	[tilespmem:s15+$0x1A710] =	vst v1;
	v1 =	vld [tilespmem:s15+$0x30];
	_ =	sdelay $0x1  }
0x28: {  	v0 =	vld.idx.msk [tilespmem:v0+s9+$0x0], $0xffff;
	_ =	sdelay $0x4  }
0x29: {  	[tilespmem:s15+$0x1A720] =	vst v0;
	v0 =	vld [tilespmem:s15+$0x40]  }
0x2a: {  	v1 =	vld.idx.msk [tilespmem:v1+s9+$0x0], $0xffff;
	_ =	sdelay $0x4  }
0x2b: {  	[tilespmem:s15+$0x1A730] =	vst v1;
	v1 =	vld [tilespmem:s15+$0x50];
	_ =	sdelay $0x1  }
0x2c: {  	v0 =	vld.idx.msk [tilespmem:v0+s9+$0x0], $0xffff;
	_ =	sdelay $0x4  }
0x2d: {  	v2 =	vld [tilespmem:s15+$0x60];
	[tilespmem:s15+$0x1A740] =	vst v0  }
0x2e: {  	v0 =	vld.idx.msk [tilespmem:v1+s9+$0x0], $0xffff;
	_ =	sdelay $0x4  }
0x2f: {  	[tilespmem:s15+$0x1A750] =	vst v0;
	v0 =	vld [tilespmem:s15+$0x70];
	_ =	sdelay $0x1  }
0x30: {  	v1 =	vld.idx.msk [tilespmem:v2+s9+$0x0], $0xffff;
	_ =	sdelay $0x3  }
0x31: {  	s17 =	simm.s32 $0x80;
	s16 =	simm.s32 $0x400  }
.LBB2_2:
0x32: {  	p0 =	sne.s32 s16, $0x7E00;
	v2 =	vld [tilespmem:s17+$0x0];
	[tilespmem:s15+$0x1A760] =	vst v1  }
0x33: {  	v0 =	vld.idx.msk [tilespmem:v0+s9+$0x0], $0xffff;
	_ =	sdelay $0x5  }
0x34: {  	v1 =	vld [tilespmem:s17+$0x10];
	[tilespmem:s15+$0x1A770] =	vst v0;
	s15 =	smov.u32 s17  }
0x35: {  	v0 =	vld.idx.msk [tilespmem:v2+s9+$0x0], $0xffff;
	_ =	sdelay $0x5  }
0x36: {  	[tilespmem:s15+$0x1A700] =	vst v0;
	v0 =	vld [tilespmem:s15+$0x20]  }
0x37: {  	v1 =	vld.idx.msk [tilespmem:v1+s9+$0x0], $0xffff;
	_ =	sdelay $0x5  }
0x38: {  	[tilespmem:s15+$0x1A710] =	vst v1;
	v1 =	vld [tilespmem:s15+$0x30]  }
0x39: {  	v0 =	vld.idx.msk [tilespmem:v0+s9+$0x0], $0xffff;
	_ =	sdelay $0x5  }
0x3a: {  	[tilespmem:s15+$0x1A720] =	vst v0;
	v0 =	vld [tilespmem:s15+$0x40]  }
0x3b: {  	v1 =	vld.idx.msk [tilespmem:v1+s9+$0x0], $0xffff;
	_ =	sdelay $0x5  }
0x3c: {  	[tilespmem:s15+$0x1A730] =	vst v1;
	v1 =	vld [tilespmem:s15+$0x50]  }
0x3d: {  	v0 =	vld.idx.msk [tilespmem:v0+s9+$0x0], $0xffff;
	_ =	sdelay $0x5  }
0x3e: {  	[tilespmem:s15+$0x1A740] =	vst v0;
	v2 =	vld [tilespmem:s15+$0x60]  }
0x3f: {  	v0 =	vld.idx.msk [tilespmem:v1+s9+$0x0], $0xffff;
	_ =	sdelay $0x5  }
0x40: {  	[tilespmem:s15+$0x1A750] =	vst v0;
	v0 =	vld [tilespmem:s15+$0x70]  }
0x41: {  	v1 =	vld.idx.msk [tilespmem:v2+s9+$0x0], $0xffff  }
.Ltmp0:
0x42: {  	(pc) =	sbr.rel @p0 .LBB2_2-.Ltmp0, $2  }
0x43: {  	_ =	sdelay $0x2  }
0x44: {  	s17 =	sshra.s32 s16, $0x2;
	s16 =	sadd.s32 $0x200, s16  }
0x45: {  	_ =	sdelay $0x1  }
0x46: {  	v2 =	vld [tilespmem:s17+$0x0]  }
0x47: {  	[tilespmem:s15+$0x1A760] =	vst v1  }
0x48: {  	v0 =	vld.idx.msk [tilespmem:v0+s9+$0x0], $0xffff;
	_ =	sdelay $0x3  }
0x49: {  	v1 =	vld [tilespmem:s17+$0x10]  }
0x4a: {  	[tilespmem:s15+$0x1A770] =	vst v0  }
0x4b: {  	v0 =	vld.idx.msk [tilespmem:v2+s9+$0x0], $0xffff;
	_ =	sdelay $0x3  }
0x4c: {  	v58 =	vld [tilespmem:s17+$0x20]  }
0x4d: {  	[tilespmem:s17+$0x1A700] =	vst v0  }
0x4e: {  	v1 =	vld.idx.msk [tilespmem:v1+s9+$0x0], $0xffff;
	_ =	sdelay $0x3  }
0x4f: {  	v59 =	vld [tilespmem:s17+$0x30]  }
0x50: {  	[tilespmem:s17+$0x1A710] =	vst v1  }
0x51: {  	v0 =	vld.idx.msk [tilespmem:v58+s9+$0x0], $0xffff;
	_ =	sdelay $0x3  }
0x52: {  	v60 =	vld [tilespmem:s17+$0x40]  }
0x53: {  	[tilespmem:s17+$0x1A720] =	vst v0  }
0x54: {  	v1 =	vld.idx.msk [tilespmem:v59+s9+$0x0], $0xffff;
	_ =	sdelay $0x3  }
0x55: {  	v61 =	vld [tilespmem:s17+$0x50]  }
0x56: {  	[tilespmem:s17+$0x1A730] =	vst v1  }
0x57: {  	v0 =	vld.idx.msk [tilespmem:v60+s9+$0x0], $0xffff;
	_ =	sdelay $0x3  }
0x58: {  	v62 =	vld [tilespmem:s17+$0x60]  }
0x59: {  	[tilespmem:s17+$0x1A740] =	vst v0  }
0x5a: {  	v1 =	vld.idx.msk [tilespmem:v61+s9+$0x0], $0xffff;
	_ =	sdelay $0x3  }
0x5b: {  	v63 =	vld [tilespmem:s17+$0x70]  }
0x5c: {  	[tilespmem:s17+$0x1A750] =	vst v1  }
0x5d: {  	v0 =	vld.idx.msk [tilespmem:v62+s9+$0x0], $0xffff;
	_ =	sdelay $0x4  }
0x5e: {  	[tilespmem:s17+$0x1A760] =	vst v0  }
0x5f: {  	v0 =	vld.idx.msk [tilespmem:v63+s9+$0x0], $0xffff;
	_ =	sdelay $0x2  }
0x60: {  	s14 =	sadd.s32 $0x1, s14  }
0x61: {  	p0 =	sne.s32 s14, s6  }
.Ltmp1:
0x62: {  	[tilespmem:s17+$0x1A770] =	vst v0;
	(pc) =	sbr.rel @p0 .LBB2_1-.Ltmp1, $4  }
0x63: {  	[hbm4b:s5+s7] =	stream.strided.scatter [tilespmem:s12], [sflag:$0x3], $0x2000, s8, s7, $0x38;
	[tilespmem:$0x1C700] =	vst v63  }
0x64: {  	_ =	swait.ge [sflag:s13], $0x2000  }
0x65: {  	[sflag:s13] =	ssyncset.done $0x0  }
0x66: {  	[sflag:s13] =	ssyncadd.s32 $0xFFFFE000  }
0x67: {  	_ =	sfence.sel $0x180000  }
0x68: {  	[bflag:$0x0] =	sbarrier.arrive $0xFFFF  }
0x69: {  	p0 =	sne.s32 s0, $0x0;
	_ =	strace $0x90000047  }
0x6a: {  	s0 =	sadd.s32 @!p0 $0x100000, s1;
	[bflag:$0x2] =	sbarrier.arrive $0xFFFF  }
0x6b: {  	[sflag:s0] =	ssyncadd.tile.s32 @!p0 $0x1;
	_ =	shalt  }
.Lfunc_end2:
_tile_overlayer_lowered:
.L_overlay_start_2:
0x6c: {  	(tag) =	ssettag $0x2  }
0x6d: {  	s0 =	rddreg [dreg:$0x0];
	s2 =	stileid.u32  }
0x6e: {  	s1 =	rddreg [dreg:$0x1];
	p0 =	sne.s32 s2, $0x0  }
0x6f: {  	s3 =	rddreg [dreg:$0x2];
	[bflag:$0x3] =	sbarrier.arrive $0xFFFF;
	s2 =	simm.s32 @!p0 $0x1C03  }
0x70: {  	[timem:s3], [sflag:s2] =	dma.local @!p0 [hbm:s0], s1  }
0x71: {  	s0 =	simm.s32 @!p0 $0x3  }
0x72: {  	_ =	swait.ge @!p0 [sflag:s0], s1  }
0x73: {  	s1 =	ssub.s32 @!p0 $0x0, s1;
	[sflag:s0] =	ssyncset.done @!p0 $0x0  }
0x74: {  	[sflag:s0] =	ssyncadd.s32 @!p0 s1  }
0x75: {  	[bflag:$0x3] =	sbarrier.arrive $0xFFFF  }
0x76: {  	_ =	shalt  }

</sc_bundles>
